<compile_context>
chip_gen: v7x
topology: tpu7x:2x2x1
jax: 0.10.2.dev20260603
libtpu: 0.0.44.dev20260713+nightly
codegen_flags: <defaults>
</compile_context>

<pallas_src>
import functools

import jax
import jax.numpy as jnp
from jax import lax
from jax.experimental import pallas as pl
from jax.experimental.pallas import tpu as pltpu
from jax.experimental.pallas import tpu_sc as plsc

_NUM_WORKERS = 32


def _make_gather(idx_shape):
    n_rows, n_cols = idx_shape
    rows_w = n_rows // _NUM_WORKERS
    assert rows_w * _NUM_WORKERS == n_rows

    mesh = plsc.VectorSubcoreMesh(core_axis_name="c", subcore_axis_name="s")

    @functools.partial(
        pl.kernel,
        out_type=jax.ShapeDtypeStruct(idx_shape, jnp.float32),
        mesh=mesh,
        scratch_types=[
            pltpu.VMEM((rows_w, n_cols), jnp.int32),
            pltpu.VMEM((rows_w, n_cols), jnp.float32),
            pltpu.SemaphoreType.DMA,
        ],
    )
    def gather_kernel(table_hbm, idx_hbm, out_hbm, idx_v, val_v, sem):
        wid = lax.axis_index("s") * 2 + lax.axis_index("c")
        base = wid * rows_w
        pltpu.sync_copy(idx_hbm.at[pl.ds(base, rows_w), :], idx_v)

        unroll = 8

        def fire(j, carry):
            for g in range(unroll):
                r = j * unroll + g
                pltpu.async_copy(table_hbm.at[idx_v.at[r]], val_v.at[r], sem)
            return carry

        lax.fori_loop(0, rows_w // unroll, fire, 0)

        def drain(j, carry):
            for g in range(unroll):
                r = j * unroll + g
                pltpu.make_async_copy(
                    table_hbm.at[idx_v.at[r]], val_v.at[r], sem
                ).wait()
            return carry

        lax.fori_loop(0, rows_w // unroll, drain, 0)
        pltpu.sync_copy(val_v, out_hbm.at[pl.ds(base, rows_w), :])

    return gather_kernel


def kernel(fit_X_col, donors_idx):
    idx = donors_idx.astype(jnp.int32)
    return _make_gather(idx.shape)(fit_X_col, idx)

# --- scband reference (transcript-rebuilt; emitter-appended) ---
"""Pipeline reference for scband-sub-take-25443386261845 (READ-ONLY COPY).

The authoritative reference and input builder live on the scoring server;
editing this copy changes nothing except your own understanding.
"""

import jax, jax.numpy as jnp
import numpy as np


def setup_inputs(seed: int = 0) -> dict:
    key = jax.random.key(seed)
    k1, k2 = jax.random.split(key)
    fit_X_col = jax.random.normal(k1, (1000000,), dtype=jnp.float32)
    donors_idx = jax.random.randint(k2, (16384, 50), 0, 1000000, dtype=jnp.int64)
    return {"fit_X_col": fit_X_col, "donors_idx": donors_idx}


def reference(fit_X_col, donors_idx):
    # torch.Tensor.take indexes the flattened source tensor and returns
    # an output with the same shape as the indices.
    return jnp.take(fit_X_col.ravel(), donors_idx)

if __name__ == "__main__":
    import jax
    _d = setup_inputs()
    print(jax.jit(kernel)(*tuple(_d.values())))

</pallas_src>

<mosaic_0001>
#map = affine_map<(d0, d1) -> (0)>
#map1 = affine_map<(d0, d1) -> (0, 0)>
module attributes {stable_mosaic.version = 14 : i64} {
  func.func @gather_kernel(%arg0: i32, %arg1: i32, %arg2: memref<1000000xf32, #tpu.memory_space<hbm>>, %arg3: memref<16384x50xi32, #tpu.memory_space<hbm>>, %arg4: memref<16384x50xf32, #tpu.memory_space<hbm>>, %arg5: memref<512x50xi32, #tpu.memory_space<vmem>>, %arg6: memref<512x50xf32, #tpu.memory_space<vmem>>, %arg7: memref<!tpu.dma_semaphore, #tpu.memory_space<semaphore_mem>>) attributes {dimension_semantics = [#tpu.dimension_semantics<core_parallel>, #tpu.dimension_semantics<subcore_parallel>], iteration_bounds = array<i64: 2, 16>, scalar_prefetch = 0 : i64, scratch_operands = 3 : i64, tpu.core_type = #tpu.core_type<sc_vector_subcore>, window_params = [{transform_indices = #map}, {transform_indices = #map1}, {transform_indices = #map1}]} {
    %mul3A = arith.constant 2 : i32
    %mul3A_0 = arith.muli %arg1, %mul3A : i32
    %add3A = arith.addi %mul3A_0, %arg0 : i32
    %mul3A_1 = arith.constant 512 : i32
    %mul3A_2 = arith.muli %add3A, %mul3A_1 : i32
    "tpu.region"() ({
      %run_scoped3A = tpu.sem_alloc : memref<!tpu.dma_semaphore, #tpu.memory_space<semaphore_mem>>
      %dma_start3A = arith.constant 0 : i32
      %dma_start3A_14 = tpu.memref_slice %arg3[%mul3A_2, %dma_start3A] : memref<16384x50xi32, #tpu.memory_space<hbm>> -> memref<512x50xi32, #tpu.memory_space<hbm>>
      %dma_start3A_15 = arith.constant 0 : i32
      %dma_start3A_16 = tpu.memref_slice %arg3[%mul3A_2, %dma_start3A_15] : memref<16384x50xi32, #tpu.memory_space<hbm>> -> memref<512x50xi32, #tpu.memory_space<hbm>>
      tpu.enqueue_dma source(%dma_start3A_16 : memref<512x50xi32, #tpu.memory_space<hbm>>) target(%arg5 : memref<512x50xi32, #tpu.memory_space<vmem>>) target_semaphore(%run_scoped3A : memref<!tpu.dma_semaphore, #tpu.memory_space<semaphore_mem>>)
      %dma_wait3A = arith.constant 0 : i32
      %dma_wait3A_17 = tpu.memref_slice %arg3[%mul3A_2, %dma_wait3A] : memref<16384x50xi32, #tpu.memory_space<hbm>> -> memref<512x50xi32, #tpu.memory_space<hbm>>
      %dma_wait3A_18 = arith.constant 0 : i32
      %dma_wait3A_19 = tpu.memref_slice %arg3[%mul3A_2, %dma_wait3A_18] : memref<16384x50xi32, #tpu.memory_space<hbm>> -> memref<512x50xi32, #tpu.memory_space<hbm>>
      tpu.wait_dma2 semaphore(%run_scoped3A : memref<!tpu.dma_semaphore, #tpu.memory_space<semaphore_mem>>) src(%dma_wait3A_19 : memref<512x50xi32, #tpu.memory_space<hbm>>) dst(%arg5 : memref<512x50xi32, #tpu.memory_space<vmem>>)
      tpu.yield
    }) : () -> ()
    %scan3A = arith.constant 0 : i32
    %scan3A_3 = arith.constant 0 : i32
    %scan3A_4 = arith.constant 64 : i32
    %scan3A_5 = arith.addi %scan3A_3, %scan3A_4 : i32
    %scan3A_6 = arith.constant 1 : i32
    scf.for %scan3A_14 = %scan3A_3 to %scan3A_5 step %scan3A_6  : i32 {
      %mul3A_15 = arith.constant 8 : i32
      %mul3A_16 = arith.muli %scan3A_14, %mul3A_15 : i32
      %add3A_17 = arith.constant 0 : i32
      %add3A_18 = arith.addi %mul3A_16, %add3A_17 : i32
      %dma_start3A = arith.constant 0 : i32
      %dma_start3A_19 = tpu.memref_slice %arg6[%add3A_18, %dma_start3A] : memref<512x50xf32, #tpu.memory_space<vmem>> -> memref<1x50xf32, #tpu.memory_space<vmem>>
      %dma_start3A_20 = tpu.memref_squeeze %dma_start3A_19 : memref<1x50xf32, #tpu.memory_space<vmem>> -> memref<50xf32, #tpu.memory_space<vmem>>
      %dma_start3A_21 = arith.constant 0 : i32
      %dma_start3A_22 = tpu.memref_slice %arg5[%add3A_18, %dma_start3A_21] : memref<512x50xi32, #tpu.memory_space<vmem>> -> memref<1x50xi32, #tpu.memory_space<vmem>>
      %dma_start3A_23 = tpu.memref_squeeze %dma_start3A_22 : memref<1x50xi32, #tpu.memory_space<vmem>> -> memref<50xi32, #tpu.memory_space<vmem>>
      %dma_start3A_24 = arith.constant 0 : i32
      %dma_start3A_25 = tpu.memref_slice %arg2[%dma_start3A_24] : memref<1000000xf32, #tpu.memory_space<hbm>> -> memref<1000000xf32, #tpu.memory_space<hbm>>
      tpu.enqueue_indirect_dma source(%dma_start3A_25 : memref<1000000xf32, #tpu.memory_space<hbm>>) target(%dma_start3A_20 : memref<50xf32, #tpu.memory_space<vmem>>) offsets(%dma_start3A_23 : memref<50xi32, #tpu.memory_space<vmem>>) semaphore(%arg7 : memref<!tpu.dma_semaphore, #tpu.memory_space<semaphore_mem>>)
      %mul3A_26 = arith.constant 8 : i32
      %mul3A_27 = arith.muli %scan3A_14, %mul3A_26 : i32
      %add3A_28 = arith.constant 1 : i32
      %add3A_29 = arith.addi %mul3A_27, %add3A_28 : i32
      %dma_start3A_30 = arith.constant 0 : i32
      %dma_start3A_31 = tpu.memref_slice %arg6[%add3A_29, %dma_start3A_30] : memref<512x50xf32, #tpu.memory_space<vmem>> -> memref<1x50xf32, #tpu.memory_space<vmem>>
      %dma_start3A_32 = tpu.memref_squeeze %dma_start3A_31 : memref<1x50xf32, #tpu.memory_space<vmem>> -> memref<50xf32, #tpu.memory_space<vmem>>
      %dma_start3A_33 = arith.constant 0 : i32
      %dma_start3A_34 = tpu.memref_slice %arg5[%add3A_29, %dma_start3A_33] : memref<512x50xi32, #tpu.memory_space<vmem>> -> memref<1x50xi32, #tpu.memory_space<vmem>>
      %dma_start3A_35 = tpu.memref_squeeze %dma_start3A_34 : memref<1x50xi32, #tpu.memory_space<vmem>> -> memref<50xi32, #tpu.memory_space<vmem>>
      %dma_start3A_36 = arith.constant 0 : i32
      %dma_start3A_37 = tpu.memref_slice %arg2[%dma_start3A_36] : memref<1000000xf32, #tpu.memory_space<hbm>> -> memref<1000000xf32, #tpu.memory_space<hbm>>
      tpu.enqueue_indirect_dma source(%dma_start3A_37 : memref<1000000xf32, #tpu.memory_space<hbm>>) target(%dma_start3A_32 : memref<50xf32, #tpu.memory_space<vmem>>) offsets(%dma_start3A_35 : memref<50xi32, #tpu.memory_space<vmem>>) semaphore(%arg7 : memref<!tpu.dma_semaphore, #tpu.memory_space<semaphore_mem>>)
      %mul3A_38 = arith.constant 8 : i32
      %mul3A_39 = arith.muli %scan3A_14, %mul3A_38 : i32
      %add3A_40 = arith.constant 2 : i32
      %add3A_41 = arith.addi %mul3A_39, %add3A_40 : i32
      %dma_start3A_42 = arith.constant 0 : i32
      %dma_start3A_43 = tpu.memref_slice %arg6[%add3A_41, %dma_start3A_42] : memref<512x50xf32, #tpu.memory_space<vmem>> -> memref<1x50xf32, #tpu.memory_space<vmem>>
      %dma_start3A_44 = tpu.memref_squeeze %dma_start3A_43 : memref<1x50xf32, #tpu.memory_space<vmem>> -> memref<50xf32, #tpu.memory_space<vmem>>
      %dma_start3A_45 = arith.constant 0 : i32
      %dma_start3A_46 = tpu.memref_slice %arg5[%add3A_41, %dma_start3A_45] : memref<512x50xi32, #tpu.memory_space<vmem>> -> memref<1x50xi32, #tpu.memory_space<vmem>>
      %dma_start3A_47 = tpu.memref_squeeze %dma_start3A_46 : memref<1x50xi32, #tpu.memory_space<vmem>> -> memref<50xi32, #tpu.memory_space<vmem>>
      %dma_start3A_48 = arith.constant 0 : i32
      %dma_start3A_49 = tpu.memref_slice %arg2[%dma_start3A_48] : memref<1000000xf32, #tpu.memory_space<hbm>> -> memref<1000000xf32, #tpu.memory_space<hbm>>
      tpu.enqueue_indirect_dma source(%dma_start3A_49 : memref<1000000xf32, #tpu.memory_space<hbm>>) target(%dma_start3A_44 : memref<50xf32, #tpu.memory_space<vmem>>) offsets(%dma_start3A_47 : memref<50xi32, #tpu.memory_space<vmem>>) semaphore(%arg7 : memref<!tpu.dma_semaphore, #tpu.memory_space<semaphore_mem>>)
      %mul3A_50 = arith.constant 8 : i32
      %mul3A_51 = arith.muli %scan3A_14, %mul3A_50 : i32
      %add3A_52 = arith.constant 3 : i32
      %add3A_53 = arith.addi %mul3A_51, %add3A_52 : i32
      %dma_start3A_54 = arith.constant 0 : i32
      %dma_start3A_55 = tpu.memref_slice %arg6[%add3A_53, %dma_start3A_54] : memref<512x50xf32, #tpu.memory_space<vmem>> -> memref<1x50xf32, #tpu.memory_space<vmem>>
      %dma_start3A_56 = tpu.memref_squeeze %dma_start3A_55 : memref<1x50xf32, #tpu.memory_space<vmem>> -> memref<50xf32, #tpu.memory_space<vmem>>
      %dma_start3A_57 = arith.constant 0 : i32
      %dma_start3A_58 = tpu.memref_slice %arg5[%add3A_53, %dma_start3A_57] : memref<512x50xi32, #tpu.memory_space<vmem>> -> memref<1x50xi32, #tpu.memory_space<vmem>>
      %dma_start3A_59 = tpu.memref_squeeze %dma_start3A_58 : memref<1x50xi32, #tpu.memory_space<vmem>> -> memref<50xi32, #tpu.memory_space<vmem>>
      %dma_start3A_60 = arith.constant 0 : i32
      %dma_start3A_61 = tpu.memref_slice %arg2[%dma_start3A_60] : memref<1000000xf32, #tpu.memory_space<hbm>> -> memref<1000000xf32, #tpu.memory_space<hbm>>
      tpu.enqueue_indirect_dma source(%dma_start3A_61 : memref<1000000xf32, #tpu.memory_space<hbm>>) target(%dma_start3A_56 : memref<50xf32, #tpu.memory_space<vmem>>) offsets(%dma_start3A_59 : memref<50xi32, #tpu.memory_space<vmem>>) semaphore(%arg7 : memref<!tpu.dma_semaphore, #tpu.memory_space<semaphore_mem>>)
      %mul3A_62 = arith.constant 8 : i32
      %mul3A_63 = arith.muli %scan3A_14, %mul3A_62 : i32
      %add3A_64 = arith.constant 4 : i32
      %add3A_65 = arith.addi %mul3A_63, %add3A_64 : i32
      %dma_start3A_66 = arith.constant 0 : i32
      %dma_start3A_67 = tpu.memref_slice %arg6[%add3A_65, %dma_start3A_66] : memref<512x50xf32, #tpu.memory_space<vmem>> -> memref<1x50xf32, #tpu.memory_space<vmem>>
      %dma_start3A_68 = tpu.memref_squeeze %dma_start3A_67 : memref<1x50xf32, #tpu.memory_space<vmem>> -> memref<50xf32, #tpu.memory_space<vmem>>
      %dma_start3A_69 = arith.constant 0 : i32
      %dma_start3A_70 = tpu.memref_slice %arg5[%add3A_65, %dma_start3A_69] : memref<512x50xi32, #tpu.memory_space<vmem>> -> memref<1x50xi32, #tpu.memory_space<vmem>>
      %dma_start3A_71 = tpu.memref_squeeze %dma_start3A_70 : memref<1x50xi32, #tpu.memory_space<vmem>> -> memref<50xi32, #tpu.memory_space<vmem>>
      %dma_start3A_72 = arith.constant 0 : i32
      %dma_start3A_73 = tpu.memref_slice %arg2[%dma_start3A_72] : memref<1000000xf32, #tpu.memory_space<hbm>> -> memref<1000000xf32, #tpu.memory_space<hbm>>
      tpu.enqueue_indirect_dma source(%dma_start3A_73 : memref<1000000xf32, #tpu.memory_space<hbm>>) target(%dma_start3A_68 : memref<50xf32, #tpu.memory_space<vmem>>) offsets(%dma_start3A_71 : memref<50xi32, #tpu.memory_space<vmem>>) semaphore(%arg7 : memref<!tpu.dma_semaphore, #tpu.memory_space<semaphore_mem>>)
      %mul3A_74 = arith.constant 8 : i32
      %mul3A_75 = arith.muli %scan3A_14, %mul3A_74 : i32
      %add3A_76 = arith.constant 5 : i32
      %add3A_77 = arith.addi %mul3A_75, %add3A_76 : i32
      %dma_start3A_78 = arith.constant 0 : i32
      %dma_start3A_79 = tpu.memref_slice %arg6[%add3A_77, %dma_start3A_78] : memref<512x50xf32, #tpu.memory_space<vmem>> -> memref<1x50xf32, #tpu.memory_space<vmem>>
      %dma_start3A_80 = tpu.memref_squeeze %dma_start3A_79 : memref<1x50xf32, #tpu.memory_space<vmem>> -> memref<50xf32, #tpu.memory_space<vmem>>
      %dma_start3A_81 = arith.constant 0 : i32
      %dma_start3A_82 = tpu.memref_slice %arg5[%add3A_77, %dma_start3A_81] : memref<512x50xi32, #tpu.memory_space<vmem>> -> memref<1x50xi32, #tpu.memory_space<vmem>>
      %dma_start3A_83 = tpu.memref_squeeze %dma_start3A_82 : memref<1x50xi32, #tpu.memory_space<vmem>> -> memref<50xi32, #tpu.memory_space<vmem>>
      %dma_start3A_84 = arith.constant 0 : i32
      %dma_start3A_85 = tpu.memref_slice %arg2[%dma_start3A_84] : memref<1000000xf32, #tpu.memory_space<hbm>> -> memref<1000000xf32, #tpu.memory_space<hbm>>
      tpu.enqueue_indirect_dma source(%dma_start3A_85 : memref<1000000xf32, #tpu.memory_space<hbm>>) target(%dma_start3A_80 : memref<50xf32, #tpu.memory_space<vmem>>) offsets(%dma_start3A_83 : memref<50xi32, #tpu.memory_space<vmem>>) semaphore(%arg7 : memref<!tpu.dma_semaphore, #tpu.memory_space<semaphore_mem>>)
      %mul3A_86 = arith.constant 8 : i32
      %mul3A_87 = arith.muli %scan3A_14, %mul3A_86 : i32
      %add3A_88 = arith.constant 6 : i32
      %add3A_89 = arith.addi %mul3A_87, %add3A_88 : i32
      %dma_start3A_90 = arith.constant 0 : i32
      %dma_start3A_91 = tpu.memref_slice %arg6[%add3A_89, %dma_start3A_90] : memref<512x50xf32, #tpu.memory_space<vmem>> -> memref<1x50xf32, #tpu.memory_space<vmem>>
      %dma_start3A_92 = tpu.memref_squeeze %dma_start3A_91 : memref<1x50xf32, #tpu.memory_space<vmem>> -> memref<50xf32, #tpu.memory_space<vmem>>
      %dma_start3A_93 = arith.constant 0 : i32
      %dma_start3A_94 = tpu.memref_slice %arg5[%add3A_89, %dma_start3A_93] : memref<512x50xi32, #tpu.memory_space<vmem>> -> memref<1x50xi32, #tpu.memory_space<vmem>>
      %dma_start3A_95 = tpu.memref_squeeze %dma_start3A_94 : memref<1x50xi32, #tpu.memory_space<vmem>> -> memref<50xi32, #tpu.memory_space<vmem>>
      %dma_start3A_96 = arith.constant 0 : i32
      %dma_start3A_97 = tpu.memref_slice %arg2[%dma_start3A_96] : memref<1000000xf32, #tpu.memory_space<hbm>> -> memref<1000000xf32, #tpu.memory_space<hbm>>
      tpu.enqueue_indirect_dma source(%dma_start3A_97 : memref<1000000xf32, #tpu.memory_space<hbm>>) target(%dma_start3A_92 : memref<50xf32, #tpu.memory_space<vmem>>) offsets(%dma_start3A_95 : memref<50xi32, #tpu.memory_space<vmem>>) semaphore(%arg7 : memref<!tpu.dma_semaphore, #tpu.memory_space<semaphore_mem>>)
      %mul3A_98 = arith.constant 8 : i32
      %mul3A_99 = arith.muli %scan3A_14, %mul3A_98 : i32
      %add3A_100 = arith.constant 7 : i32
      %add3A_101 = arith.addi %mul3A_99, %add3A_100 : i32
      %dma_start3A_102 = arith.constant 0 : i32
      %dma_start3A_103 = tpu.memref_slice %arg6[%add3A_101, %dma_start3A_102] : memref<512x50xf32, #tpu.memory_space<vmem>> -> memref<1x50xf32, #tpu.memory_space<vmem>>
      %dma_start3A_104 = tpu.memref_squeeze %dma_start3A_103 : memref<1x50xf32, #tpu.memory_space<vmem>> -> memref<50xf32, #tpu.memory_space<vmem>>
      %dma_start3A_105 = arith.constant 0 : i32
      %dma_start3A_106 = tpu.memref_slice %arg5[%add3A_101, %dma_start3A_105] : memref<512x50xi32, #tpu.memory_space<vmem>> -> memref<1x50xi32, #tpu.memory_space<vmem>>
      %dma_start3A_107 = tpu.memref_squeeze %dma_start3A_106 : memref<1x50xi32, #tpu.memory_space<vmem>> -> memref<50xi32, #tpu.memory_space<vmem>>
      %dma_start3A_108 = arith.constant 0 : i32
      %dma_start3A_109 = tpu.memref_slice %arg2[%dma_start3A_108] : memref<1000000xf32, #tpu.memory_space<hbm>> -> memref<1000000xf32, #tpu.memory_space<hbm>>
      tpu.enqueue_indirect_dma source(%dma_start3A_109 : memref<1000000xf32, #tpu.memory_space<hbm>>) target(%dma_start3A_104 : memref<50xf32, #tpu.memory_space<vmem>>) offsets(%dma_start3A_107 : memref<50xi32, #tpu.memory_space<vmem>>) semaphore(%arg7 : memref<!tpu.dma_semaphore, #tpu.memory_space<semaphore_mem>>)
    }
    %scan3A_7 = arith.constant 64 : i32
    %scan3A_8 = arith.constant 0 : i32
    %scan3A_9 = arith.constant 0 : i32
    %scan3A_10 = arith.constant 64 : i32
    %scan3A_11 = arith.addi %scan3A_9, %scan3A_10 : i32
    %scan3A_12 = arith.constant 1 : i32
    scf.for %scan3A_14 = %scan3A_9 to %scan3A_11 step %scan3A_12  : i32 {
      %mul3A_15 = arith.constant 8 : i32
      %mul3A_16 = arith.muli %scan3A_14, %mul3A_15 : i32
      %add3A_17 = arith.constant 0 : i32
      %add3A_18 = arith.addi %mul3A_16, %add3A_17 : i32
      %dma_wait3A = arith.constant 0 : i32
      %dma_wait3A_19 = tpu.memref_slice %arg6[%add3A_18, %dma_wait3A] : memref<512x50xf32, #tpu.memory_space<vmem>> -> memref<1x50xf32, #tpu.memory_space<vmem>>
      %dma_wait3A_20 = tpu.memref_squeeze %dma_wait3A_19 : memref<1x50xf32, #tpu.memory_space<vmem>> -> memref<50xf32, #tpu.memory_space<vmem>>
      %dma_wait3A_21 = arith.constant 0 : i32
      %dma_wait3A_22 = tpu.memref_slice %arg5[%add3A_18, %dma_wait3A_21] : memref<512x50xi32, #tpu.memory_space<vmem>> -> memref<1x50xi32, #tpu.memory_space<vmem>>
      %dma_wait3A_23 = tpu.memref_squeeze %dma_wait3A_22 : memref<1x50xi32, #tpu.memory_space<vmem>> -> memref<50xi32, #tpu.memory_space<vmem>>
      %dma_wait3A_24 = arith.constant 0 : i32
      %dma_wait3A_25 = tpu.memref_slice %arg2[%dma_wait3A_24] : memref<1000000xf32, #tpu.memory_space<hbm>> -> memref<1000000xf32, #tpu.memory_space<hbm>>
      tpu.wait_indirect_dma semaphore(%arg7 : memref<!tpu.dma_semaphore, #tpu.memory_space<semaphore_mem>>) src(%dma_wait3A_25 : memref<1000000xf32, #tpu.memory_space<hbm>>) dst(%dma_wait3A_20 : memref<50xf32, #tpu.memory_space<vmem>>)
      %mul3A_26 = arith.constant 8 : i32
      %mul3A_27 = arith.muli %scan3A_14, %mul3A_26 : i32
      %add3A_28 = arith.constant 1 : i32
      %add3A_29 = arith.addi %mul3A_27, %add3A_28 : i32
      %dma_wait3A_30 = arith.constant 0 : i32
      %dma_wait3A_31 = tpu.memref_slice %arg6[%add3A_29, %dma_wait3A_30] : memref<512x50xf32, #tpu.memory_space<vmem>> -> memref<1x50xf32, #tpu.memory_space<vmem>>
      %dma_wait3A_32 = tpu.memref_squeeze %dma_wait3A_31 : memref<1x50xf32, #tpu.memory_space<vmem>> -> memref<50xf32, #tpu.memory_space<vmem>>
      %dma_wait3A_33 = arith.constant 0 : i32
      %dma_wait3A_34 = tpu.memref_slice %arg5[%add3A_29, %dma_wait3A_33] : memref<512x50xi32, #tpu.memory_space<vmem>> -> memref<1x50xi32, #tpu.memory_space<vmem>>
      %dma_wait3A_35 = tpu.memref_squeeze %dma_wait3A_34 : memref<1x50xi32, #tpu.memory_space<vmem>> -> memref<50xi32, #tpu.memory_space<vmem>>
      %dma_wait3A_36 = arith.constant 0 : i32
      %dma_wait3A_37 = tpu.memref_slice %arg2[%dma_wait3A_36] : memref<1000000xf32, #tpu.memory_space<hbm>> -> memref<1000000xf32, #tpu.memory_space<hbm>>
      tpu.wait_indirect_dma semaphore(%arg7 : memref<!tpu.dma_semaphore, #tpu.memory_space<semaphore_mem>>) src(%dma_wait3A_37 : memref<1000000xf32, #tpu.memory_space<hbm>>) dst(%dma_wait3A_32 : memref<50xf32, #tpu.memory_space<vmem>>)
      %mul3A_38 = arith.constant 8 : i32
      %mul3A_39 = arith.muli %scan3A_14, %mul3A_38 : i32
      %add3A_40 = arith.constant 2 : i32
      %add3A_41 = arith.addi %mul3A_39, %add3A_40 : i32
      %dma_wait3A_42 = arith.constant 0 : i32
      %dma_wait3A_43 = tpu.memref_slice %arg6[%add3A_41, %dma_wait3A_42] : memref<512x50xf32, #tpu.memory_space<vmem>> -> memref<1x50xf32, #tpu.memory_space<vmem>>
      %dma_wait3A_44 = tpu.memref_squeeze %dma_wait3A_43 : memref<1x50xf32, #tpu.memory_space<vmem>> -> memref<50xf32, #tpu.memory_space<vmem>>
      %dma_wait3A_45 = arith.constant 0 : i32
      %dma_wait3A_46 = tpu.memref_slice %arg5[%add3A_41, %dma_wait3A_45] : memref<512x50xi32, #tpu.memory_space<vmem>> -> memref<1x50xi32, #tpu.memory_space<vmem>>
      %dma_wait3A_47 = tpu.memref_squeeze %dma_wait3A_46 : memref<1x50xi32, #tpu.memory_space<vmem>> -> memref<50xi32, #tpu.memory_space<vmem>>
      %dma_wait3A_48 = arith.constant 0 : i32
      %dma_wait3A_49 = tpu.memref_slice %arg2[%dma_wait3A_48] : memref<1000000xf32, #tpu.memory_space<hbm>> -> memref<1000000xf32, #tpu.memory_space<hbm>>
      tpu.wait_indirect_dma semaphore(%arg7 : memref<!tpu.dma_semaphore, #tpu.memory_space<semaphore_mem>>) src(%dma_wait3A_49 : memref<1000000xf32, #tpu.memory_space<hbm>>) dst(%dma_wait3A_44 : memref<50xf32, #tpu.memory_space<vmem>>)
      %mul3A_50 = arith.constant 8 : i32
      %mul3A_51 = arith.muli %scan3A_14, %mul3A_50 : i32
      %add3A_52 = arith.constant 3 : i32
      %add3A_53 = arith.addi %mul3A_51, %add3A_52 : i32
      %dma_wait3A_54 = arith.constant 0 : i32
      %dma_wait3A_55 = tpu.memref_slice %arg6[%add3A_53, %dma_wait3A_54] : memref<512x50xf32, #tpu.memory_space<vmem>> -> memref<1x50xf32, #tpu.memory_space<vmem>>
      %dma_wait3A_56 = tpu.memref_squeeze %dma_wait3A_55 : memref<1x50xf32, #tpu.memory_space<vmem>> -> memref<50xf32, #tpu.memory_space<vmem>>
      %dma_wait3A_57 = arith.constant 0 : i32
      %dma_wait3A_58 = tpu.memref_slice %arg5[%add3A_53, %dma_wait3A_57] : memref<512x50xi32, #tpu.memory_space<vmem>> -> memref<1x50xi32, #tpu.memory_space<vmem>>
      %dma_wait3A_59 = tpu.memref_squeeze %dma_wait3A_58 : memref<1x50xi32, #tpu.memory_space<vmem>> -> memref<50xi32, #tpu.memory_space<vmem>>
      %dma_wait3A_60 = arith.constant 0 : i32
      %dma_wait3A_61 = tpu.memref_slice %arg2[%dma_wait3A_60] : memref<1000000xf32, #tpu.memory_space<hbm>> -> memref<1000000xf32, #tpu.memory_space<hbm>>
      tpu.wait_indirect_dma semaphore(%arg7 : memref<!tpu.dma_semaphore, #tpu.memory_space<semaphore_mem>>) src(%dma_wait3A_61 : memref<1000000xf32, #tpu.memory_space<hbm>>) dst(%dma_wait3A_56 : memref<50xf32, #tpu.memory_space<vmem>>)
      %mul3A_62 = arith.constant 8 : i32
      %mul3A_63 = arith.muli %scan3A_14, %mul3A_62 : i32
      %add3A_64 = arith.constant 4 : i32
      %add3A_65 = arith.addi %mul3A_63, %add3A_64 : i32
      %dma_wait3A_66 = arith.constant 0 : i32
      %dma_wait3A_67 = tpu.memref_slice %arg6[%add3A_65, %dma_wait3A_66] : memref<512x50xf32, #tpu.memory_space<vmem>> -> memref<1x50xf32, #tpu.memory_space<vmem>>
      %dma_wait3A_68 = tpu.memref_squeeze %dma_wait3A_67 : memref<1x50xf32, #tpu.memory_space<vmem>> -> memref<50xf32, #tpu.memory_space<vmem>>
      %dma_wait3A_69 = arith.constant 0 : i32
      %dma_wait3A_70 = tpu.memref_slice %arg5[%add3A_65, %dma_wait3A_69] : memref<512x50xi32, #tpu.memory_space<vmem>> -> memref<1x50xi32, #tpu.memory_space<vmem>>
      %dma_wait3A_71 = tpu.memref_squeeze %dma_wait3A_70 : memref<1x50xi32, #tpu.memory_space<vmem>> -> memref<50xi32, #tpu.memory_space<vmem>>
      %dma_wait3A_72 = arith.constant 0 : i32
      %dma_wait3A_73 = tpu.memref_slice %arg2[%dma_wait3A_72] : memref<1000000xf32, #tpu.memory_space<hbm>> -> memref<1000000xf32, #tpu.memory_space<hbm>>
      tpu.wait_indirect_dma semaphore(%arg7 : memref<!tpu.dma_semaphore, #tpu.memory_space<semaphore_mem>>) src(%dma_wait3A_73 : memref<1000000xf32, #tpu.memory_space<hbm>>) dst(%dma_wait3A_68 : memref<50xf32, #tpu.memory_space<vmem>>)
      %mul3A_74 = arith.constant 8 : i32
      %mul3A_75 = arith.muli %scan3A_14, %mul3A_74 : i32
      %add3A_76 = arith.constant 5 : i32
      %add3A_77 = arith.addi %mul3A_75, %add3A_76 : i32
      %dma_wait3A_78 = arith.constant 0 : i32
      %dma_wait3A_79 = tpu.memref_slice %arg6[%add3A_77, %dma_wait3A_78] : memref<512x50xf32, #tpu.memory_space<vmem>> -> memref<1x50xf32, #tpu.memory_space<vmem>>
      %dma_wait3A_80 = tpu.memref_squeeze %dma_wait3A_79 : memref<1x50xf32, #tpu.memory_space<vmem>> -> memref<50xf32, #tpu.memory_space<vmem>>
      %dma_wait3A_81 = arith.constant 0 : i32
      %dma_wait3A_82 = tpu.memref_slice %arg5[%add3A_77, %dma_wait3A_81] : memref<512x50xi32, #tpu.memory_space<vmem>> -> memref<1x50xi32, #tpu.memory_space<vmem>>
      %dma_wait3A_83 = tpu.memref_squeeze %dma_wait3A_82 : memref<1x50xi32, #tpu.memory_space<vmem>> -> memref<50xi32, #tpu.memory_space<vmem>>
      %dma_wait3A_84 = arith.constant 0 : i32
      %dma_wait3A_85 = tpu.memref_slice %arg2[%dma_wait3A_84] : memref<1000000xf32, #tpu.memory_space<hbm>> -> memref<1000000xf32, #tpu.memory_space<hbm>>
      tpu.wait_indirect_dma semaphore(%arg7 : memref<!tpu.dma_semaphore, #tpu.memory_space<semaphore_mem>>) src(%dma_wait3A_85 : memref<1000000xf32, #tpu.memory_space<hbm>>) dst(%dma_wait3A_80 : memref<50xf32, #tpu.memory_space<vmem>>)
      %mul3A_86 = arith.constant 8 : i32
      %mul3A_87 = arith.muli %scan3A_14, %mul3A_86 : i32
      %add3A_88 = arith.constant 6 : i32
      %add3A_89 = arith.addi %mul3A_87, %add3A_88 : i32
      %dma_wait3A_90 = arith.constant 0 : i32
      %dma_wait3A_91 = tpu.memref_slice %arg6[%add3A_89, %dma_wait3A_90] : memref<512x50xf32, #tpu.memory_space<vmem>> -> memref<1x50xf32, #tpu.memory_space<vmem>>
      %dma_wait3A_92 = tpu.memref_squeeze %dma_wait3A_91 : memref<1x50xf32, #tpu.memory_space<vmem>> -> memref<50xf32, #tpu.memory_space<vmem>>
      %dma_wait3A_93 = arith.constant 0 : i32
      %dma_wait3A_94 = tpu.memref_slice %arg5[%add3A_89, %dma_wait3A_93] : memref<512x50xi32, #tpu.memory_space<vmem>> -> memref<1x50xi32, #tpu.memory_space<vmem>>
      %dma_wait3A_95 = tpu.memref_squeeze %dma_wait3A_94 : memref<1x50xi32, #tpu.memory_space<vmem>> -> memref<50xi32, #tpu.memory_space<vmem>>
      %dma_wait3A_96 = arith.constant 0 : i32
      %dma_wait3A_97 = tpu.memref_slice %arg2[%dma_wait3A_96] : memref<1000000xf32, #tpu.memory_space<hbm>> -> memref<1000000xf32, #tpu.memory_space<hbm>>
      tpu.wait_indirect_dma semaphore(%arg7 : memref<!tpu.dma_semaphore, #tpu.memory_space<semaphore_mem>>) src(%dma_wait3A_97 : memref<1000000xf32, #tpu.memory_space<hbm>>) dst(%dma_wait3A_92 : memref<50xf32, #tpu.memory_space<vmem>>)
      %mul3A_98 = arith.constant 8 : i32
      %mul3A_99 = arith.muli %scan3A_14, %mul3A_98 : i32
      %add3A_100 = arith.constant 7 : i32
      %add3A_101 = arith.addi %mul3A_99, %add3A_100 : i32
      %dma_wait3A_102 = arith.constant 0 : i32
      %dma_wait3A_103 = tpu.memref_slice %arg6[%add3A_101, %dma_wait3A_102] : memref<512x50xf32, #tpu.memory_space<vmem>> -> memref<1x50xf32, #tpu.memory_space<vmem>>
      %dma_wait3A_104 = tpu.memref_squeeze %dma_wait3A_103 : memref<1x50xf32, #tpu.memory_space<vmem>> -> memref<50xf32, #tpu.memory_space<vmem>>
      %dma_wait3A_105 = arith.constant 0 : i32
      %dma_wait3A_106 = tpu.memref_slice %arg5[%add3A_101, %dma_wait3A_105] : memref<512x50xi32, #tpu.memory_space<vmem>> -> memref<1x50xi32, #tpu.memory_space<vmem>>
      %dma_wait3A_107 = tpu.memref_squeeze %dma_wait3A_106 : memref<1x50xi32, #tpu.memory_space<vmem>> -> memref<50xi32, #tpu.memory_space<vmem>>
      %dma_wait3A_108 = arith.constant 0 : i32
      %dma_wait3A_109 = tpu.memref_slice %arg2[%dma_wait3A_108] : memref<1000000xf32, #tpu.memory_space<hbm>> -> memref<1000000xf32, #tpu.memory_space<hbm>>
      tpu.wait_indirect_dma semaphore(%arg7 : memref<!tpu.dma_semaphore, #tpu.memory_space<semaphore_mem>>) src(%dma_wait3A_109 : memref<1000000xf32, #tpu.memory_space<hbm>>) dst(%dma_wait3A_104 : memref<50xf32, #tpu.memory_space<vmem>>)
    }
    %scan3A_13 = arith.constant 64 : i32
    "tpu.region"() ({
      %run_scoped3A = tpu.sem_alloc : memref<!tpu.dma_semaphore, #tpu.memory_space<semaphore_mem>>
      %dma_start3A = arith.constant 0 : i32
      %dma_start3A_14 = tpu.memref_slice %arg4[%mul3A_2, %dma_start3A] : memref<16384x50xf32, #tpu.memory_space<hbm>> -> memref<512x50xf32, #tpu.memory_space<hbm>>
      %dma_start3A_15 = arith.constant 0 : i32
      %dma_start3A_16 = tpu.memref_slice %arg4[%mul3A_2, %dma_start3A_15] : memref<16384x50xf32, #tpu.memory_space<hbm>> -> memref<512x50xf32, #tpu.memory_space<hbm>>
      tpu.enqueue_dma source(%arg6 : memref<512x50xf32, #tpu.memory_space<vmem>>) target(%dma_start3A_16 : memref<512x50xf32, #tpu.memory_space<hbm>>) target_semaphore(%run_scoped3A : memref<!tpu.dma_semaphore, #tpu.memory_space<semaphore_mem>>)
      %dma_wait3A = arith.constant 0 : i32
      %dma_wait3A_17 = tpu.memref_slice %arg4[%mul3A_2, %dma_wait3A] : memref<16384x50xf32, #tpu.memory_space<hbm>> -> memref<512x50xf32, #tpu.memory_space<hbm>>
      %dma_wait3A_18 = arith.constant 0 : i32
      %dma_wait3A_19 = tpu.memref_slice %arg4[%mul3A_2, %dma_wait3A_18] : memref<16384x50xf32, #tpu.memory_space<hbm>> -> memref<512x50xf32, #tpu.memory_space<hbm>>
      tpu.wait_dma2 semaphore(%run_scoped3A : memref<!tpu.dma_semaphore, #tpu.memory_space<semaphore_mem>>) src(%arg6 : memref<512x50xf32, #tpu.memory_space<vmem>>) dst(%dma_wait3A_19 : memref<512x50xf32, #tpu.memory_space<hbm>>)
      tpu.yield
    }) : () -> ()
    return
  }
}

</mosaic_0001>

<sc_bundles>
// kernel: kernel.3.cloned.1.call-start
scs
__scs_entry_jumppad:
0x0: {  	(pc) =	sbr.rel $0x88, $3  }
0x1: {  	(tag) =	ssettag $0x0;
	lr =	simm.s32 $0x1  }
0x2: {  	[smem:$0x3F9F] =	sst lr;
	_ =	strace $0xD0000000  }
0x3: {  	_ = 	snop  }
0x4: {  	_ = 	snop  }
0x5: {  	_ = 	snop  }
0x6: {  	_ = 	snop  }
0x7: {  	_ = 	snop  }
__scs_overlays_trampoline_lowered:
0x8: {  	[smem:$0x3FAE] =	sst s0  }
0x9: {  	[smem:$0x3FAF] =	sst s1  }
0xa: {  	[smem:$0x3FB0] =	sst s2  }
0xb: {  	[smem:$0x3FB1] =	sst s3  }
0xc: {  	[smem:$0x3FB2] =	sst s4  }
0xd: {  	[smem:$0x3FB3] =	sst s5  }
0xe: {  	[smem:$0x3FB4] =	sst s6  }
0xf: {  	[smem:$0x3FB5] =	sst s7  }
0x10: {  	[smem:$0x3FB6] =	sst s8  }
0x11: {  	[smem:$0x3FB7] =	sst s9;
	s0 =	simm.s32 @!p0 $0x0  }
0x12: {  	s1 =	sld [smem:$0x3F9D];
	s0 =	simm.s32 @p0 $0x1  }
0x13: {  	[smem:$0x3FB8] =	sst s0;
	s0 =	simm.s32 @!p1 $0x0  }
0x14: {  	s2 =	sld [smem:$0x3F9C];
	s0 =	simm.s32 @p1 $0x1  }
0x15: {  	[smem:$0x3FB9] =	sst s0;
	s0 =	simm.s32 @!p2 $0x0  }
0x16: {  	s3 =	sld [smem:$0x3FDB];
	s0 =	simm.s32 @p2 $0x1  }
0x17: {  	s4 =	simm.s32 $0x1BF5;
	[smem:$0x3FBB] =	sst s0  }
0x18: {  	s0 =	sld [smem:$0x3F9E];
	_ =	swait.ge [sflag:s4], $0x0  }
0x19: {  	s7 =	sld [smem:$0x3F9F]  }
0x1a: {  	s8 =	sadd.s32 $0xFFFFE003, lr  }
0x1b: {  	s9 =	sadd.s32 $0xFFFFFEF7, lr;
	s5 =	simm.s32 $0xFFFFFFFF;
	p2 =	slt.u32 s8, $0xFFFFF086  }
0x1c: {  	p1 =	slt.u32 s9, $0xF7A;
	s5 =	simm.s32 @!p2 $0x0  }
0x1d: {  	s5 =	simm.s32 @p1 $0x1;
	p0 =	seq.s32 s7, s2  }
0x1e: {  	s7 =	smul.u32 @!p0 $0xF7A, s2;
	p2 =	seq.s32 @!p0 s5, $0x0  }
0x1f: {  	s9 =	smul.u32 $0xF7A, s1;
	s8 =	simm.s32 @!p0 $0x1BF5;
	p2 =	por !p2, p0  }
0x20: {  	[sflag:s8] =	ssyncset.s32 @!p0 $0xFFFFF086;
	s6 =	sadd.s32 @!p0 s3, s7;
	s7 =	simm.s32 @!p0 $0x108  }
0x21: {  	s3 =	sadd.s32 s3, s9;
	s6 =	sadd.s32 @!p0 $0x88, s6;
	s7 =	simm.s32 @p2 $0x1082  }
0x22: {  	[simem:s7], [sflag:s8] =	dma.local @!p0 [hbm:s6], $0xF7A  }
0x23: {  	s9 =	sor.u32 $0xD0000000, s2;
	s6 =	simm.s32 $0x108;
	_ =	swait.ge @!p0 [sflag:s8], $0x0  }
0x24: {  	s3 =	sadd.s32 $0x88, s3;
	s6 =	simm.s32 @!p1 $0x1082;
	[sflag:s4] =	ssyncset.s32 $0xFFFFF086  }
0x25: {  	[simem:s6], [sflag:s4] =	dma.local [hbm:s3], $0xF7A  }
0x26: {  	[smem:$0x3F9F] =	sst s1;
	(tag) =	ssettag s2;
	_ =	strace s9  }
0x27: {  	s1 =	sld [smem:$0x3FAF]  }
0x28: {  	s2 =	sld [smem:$0x3FB0]  }
0x29: {  	s4 =	sld [smem:$0x3FB2]  }
0x2a: {  	p0 =	seq.s32 s5, $0x0;
	s5 =	sld [smem:$0x3FB3]  }
0x2b: {  	s6 =	sld [smem:$0x3FB4]  }
0x2c: {  	s7 =	sld [smem:$0x3FB5]  }
0x2d: {  	s3 =	simm.s32 $0x108;
	s8 =	sld [smem:$0x3FB6]  }
0x2e: {  	s3 =	simm.s32 @!p0 $0x1082;
	s9 =	sld [smem:$0x3FB7]  }
0x2f: {  	lr =	sadd.s32 s0, s3;
	s0 =	sld [smem:$0x3FAE]  }
0x30: {  	s3 =	sld [smem:$0x3FB1]  }
0x31: {  	[smem:$0x3FBA] =	sst s10  }
0x32: {  	s10 =	sld [smem:$0x3FB8];
	_ =	sdelay $0x3  }
0x33: {  	p0 =	seq.s32 s10, $0x1;
	s10 =	sld [smem:$0x3FBA];
	_ =	sdelay $0x3  }
0x34: {  	[smem:$0x3FBA] =	sst s10  }
0x35: {  	s10 =	sld [smem:$0x3FB9];
	_ =	sdelay $0x3  }
0x36: {  	p1 =	seq.s32 s10, $0x1;
	s10 =	sld [smem:$0x3FBA];
	_ =	sdelay $0x3  }
0x37: {  	[smem:$0x3FBA] =	sst s10  }
0x38: {  	s10 =	sld [smem:$0x3FBB]  }
0x39: {  	_ = 	snop;
	(pc) =	sbr.ind lr, $3  }
0x3a: {  	_ = 	snop  }
0x3b: {  	_ = 	snop  }
0x3c: {  	p2 =	seq.s32 s10, $0x1;
	s10 =	sld [smem:$0x3FBA]  }
0x3d: {  	_ =	shalt  }
0x3e: {  	_ =	shalt  }
0x3f: {  	_ =	shalt  }
0x40: {  	_ =	shalt  }
0x41: {  	_ =	shalt  }
0x42: {  	_ =	shalt  }
0x43: {  	_ =	shalt  }
0x44: {  	_ =	shalt  }
0x45: {  	_ =	shalt  }
0x46: {  	_ =	shalt  }
0x47: {  	_ =	shalt  }
0x48: {  	_ =	shalt  }
0x49: {  	_ =	shalt  }
0x4a: {  	_ =	shalt  }
0x4b: {  	_ =	shalt  }
0x4c: {  	_ =	shalt  }
0x4d: {  	_ =	shalt  }
0x4e: {  	_ =	shalt  }
0x4f: {  	_ =	shalt  }
0x50: {  	_ =	shalt  }
0x51: {  	_ =	shalt  }
0x52: {  	_ =	shalt  }
0x53: {  	_ =	shalt  }
0x54: {  	_ =	shalt  }
0x55: {  	_ =	shalt  }
0x56: {  	_ =	shalt  }
0x57: {  	_ =	shalt  }
0x58: {  	_ =	shalt  }
0x59: {  	_ =	shalt  }
0x5a: {  	_ =	shalt  }
0x5b: {  	_ =	shalt  }
0x5c: {  	_ =	shalt  }
0x5d: {  	_ =	shalt  }
0x5e: {  	_ =	shalt  }
0x5f: {  	_ =	shalt  }
0x60: {  	_ =	shalt  }
0x61: {  	_ =	shalt  }
0x62: {  	_ =	shalt  }
0x63: {  	_ =	shalt  }
0x64: {  	_ =	shalt  }
0x65: {  	_ =	shalt  }
0x66: {  	_ =	shalt  }
0x67: {  	_ =	shalt  }
0x68: {  	_ =	shalt  }
0x69: {  	_ =	shalt  }
0x6a: {  	_ =	shalt  }
0x6b: {  	_ =	shalt  }
0x6c: {  	_ =	shalt  }
0x6d: {  	_ =	shalt  }
0x6e: {  	_ =	shalt  }
0x6f: {  	_ =	shalt  }
0x70: {  	_ =	shalt  }
0x71: {  	_ =	shalt  }
0x72: {  	_ =	shalt  }
0x73: {  	_ =	shalt  }
0x74: {  	_ =	shalt  }
0x75: {  	_ =	shalt  }
0x76: {  	_ =	shalt  }
0x77: {  	_ =	shalt  }
0x78: {  	_ =	shalt  }
0x79: {  	_ =	shalt  }
0x7a: {  	_ =	shalt  }
0x7b: {  	_ =	shalt  }
0x7c: {  	_ =	shalt  }
0x7d: {  	_ =	shalt  }
0x7e: {  	_ =	shalt  }
0x7f: {  	_ =	shalt  }
0x80: {  	_ =	shalt  }
0x81: {  	_ =	shalt  }
0x82: {  	_ =	shalt  }
0x83: {  	_ =	shalt  }
0x84: {  	_ =	shalt  }
0x85: {  	_ =	shalt  }
0x86: {  	_ =	shalt  }
0x87: {  	_ =	shalt  }
.Lfunc_end0:
.L_simem_size_0:
called_computation_lowered:
.L_overlay_start_0:
0x88: {  	s2 =	sld [smem:$0x3FD9]  }
0x89: {  	s3 =	sld [smem:$0x3FFE];
	_ =	sdelay $0x1  }
0x8a: {  	s1 =	srdreg.scid  }
0x8b: {  	s0 =	sand.u32 $0x1, s1  }
0x8c: {  	s17 =	sshll.u32 s0, $0xA;
	s2 =	sadd.s32 s3, s2  }
0x8d: {  	s2 =	sadd.s32 s2, s17  }
0x8e: {  	[smem:$0x3FC6] =	sst s2  }
0x8f: {  	_ = 	snop  }
0x90: {  	s2 =	sld [smem:$0x3FC9];
	(tm) =	ssettm $0x1  }
0x91: {  	s18 =	sld [smem:$0x3FFB];
	_ =	sdelay $0x3  }
0x92: {  	_ =	strace s18  }
0x93: {  	s3 =	sld [smem:$0x3FFC];
	_ =	sdelay $0x3  }
0x94: {  	_ =	strace s3  }
0x95: {  	s3 =	sld [smem:$0x3FFD];
	_ =	sdelay $0x3  }
0x96: {  	_ =	strace s3  }
0x97: {  	_ =	strace $0x8FFFFFFF  }
0x98: {  	s19 =	sld [smem:$0x3FDB];
	_ =	sdelay $0x1  }
0x99: {  	s4 =	simm.s32 $_scs_section_size  }
0x9a: {  	s5 =	simm.s32 $_size__tile_overlayer_lowered;
	s6 =	simm.s32 $_tile_overlayer_lowered  }
0x9b: {  	s22 =	simm.s32 $0x1BFF;
	s21 =	sshll.u32 s6, $0x1;
	s3 =	sadd.s32 s4, s19  }
0x9c: {  	s7 =	simm.s32 $0x0;
	s20 =	sshll.u32 s5, $0x1;
	s5 =	sadd.s32 s21, s3  }
0x9d: {  	[timem:s7], [sflag:s22] =	dma.local [hbm:s5], s20  }
0x9e: {  	_ =	swait.ge [sflag:s22], s20  }
0x9f: {  	s4 =	ssub.s32 $0x0, s20;
	[sflag:s22] =	ssyncset.done $0x0  }
0xa0: {  	[sflag:s22] =	ssyncadd.s32 s4;
	_ =	sdelay $0x1  }
0xa1: {  	s23 =	simm.s32 $0x1B8B  }
0xa2: {  	_ =	swait.ge [sflag:s23], $0x1  }
0xa3: {  	[sflag:s23] =	ssyncset.done $0x0  }
0xa4: {  	s25 =	simm.s32 $0x1B8E;
	s24 =	sld [smem:$0x3FFE];
	[sflag:s23] =	ssyncadd.s32 $0xFFFFFFFF  }
0xa5: {  	s26 =	simm.s32 $execute0_lowered;
	[smem:$0x3FD2] =	sst s25  }
0xa6: {  	s5 =	sshll.u32 s26, $0x1;
	_ =	strace $0x80000046;
	[dreg:$0x1] =	wrdreg $0xFFFFFFFF  }
0xa7: {  	s28 =	simm.s32 $_size_execute0_lowered;
	s3 =	sadd.s32 s3, s5;
	[dreg:$0x0] =	wrdreg $0x0  }
0xa8: {  	s5 =	sshll.u32 s28, $0x1;
	[dreg:$0x2] =	wrdreg s3  }
0xa9: {  	[dreg:$0x3] =	wrdreg s5  }
0xaa: {  	[dreg:$0x4] =	wrdreg $0xC0  }
0xab: {  	_ =	task [dreg:s7], $0x5FFFF  }
0xac: {  	[dreg:$0x1] =	wrdreg $0xFFFFFFFF  }
0xad: {  	[dreg:$0x0] =	wrdreg $0x60  }
0xae: {  	[dreg:$0x2] =	wrdreg s2  }
0xaf: {  	[dreg:$0x3] =	wrdreg s24  }
0xb0: {  	[dreg:$0x4] =	wrdreg $0x9  }
0xb1: {  	_ =	task.clear_ibuf [dreg:s7], $0x5FFFF;
	_ =	strace $0x90000046  }
0xb2: {  	s29 =	simm.s32 $0x9;
	_ =	strace $0x80000048  }
0xb3: {  	_ =	swait.ge [sflag:s29], $0x1  }
0xb4: {  	[sflag:s29] =	ssyncadd.s32 $0xFFFFFFFF  }
0xb5: {  	_ =	strace $0x90000048  }
0xb6: {  	_ =	sfence  }
0xb7: {  	s30 =	sld [smem:$0x0];
	_ =	sdelay $0x2  }
0xb8: {  	s31 =	sshll.u32 s1, $0xD;
	s1 =	sshrl.u32 s1, $0x2  }
0xb9: {  	s3 =	sand.u32 $0x4000, s31;
	s1 =	sadd.s32 s1, s30  }
0xba: {  	s0 =	sor.u32 s3, s0;
	s1 =	sshll.u32 s1, $0x11  }
0xbb: {  	s0 =	sor.u32 s1, s0  }
0xbc: {  	s0 =	sadd.s32 $0x8F2B, s0  }
0xbd: {  	[sflag:s0] =	ssyncadd.remote.s32 $0x1  }
0xbe: {  	_ =	sfence.sel $0xFFFF  }
0xbf: {  	[dreg:$0x0] =	wrdreg $0xFFFFFFFF;
	(pc) =	sbr.abs _section_cstart, $3  }
0xc0: {  	[dreg:$0x1] =	wrdreg $0xFFFFFFFF  }
0xc1: {  	_ =	task.clear_ibuf [dreg:s7], $0x2FFFF;
	_ =	strace $0x9FFFFFFF  }
0xc2: {  	(tm) =	ssettm $0x7FFFFFFF  }
0xc3: {  	_ =	shalt  }
tec
execute0_lowered:
.L_overlay_start_1:
0x0: {  	(tag) =	ssettag $0x1  }
0x1: {  	s2 =	rddreg [dreg:$0x0]  }
0x2: {  	s4 =	rddreg [dreg:$0x1];
	s3 =	srdreg.scid  }
0x3: {  	s0 =	rddreg [dreg:$0x2];
	s1 =	stileid.u32;
	s8 =	simm.s32 $0x32  }
0x4: {  	s9 =	simm.s32 $0x1;
	s10 =	simm.s32 $0x10000;
	s11 =	simm.s32 $0x0  }
0x5: {  	s5 =	sand.u32 $0x1, s3;
	s3 =	simm.s32 $0x0;
	s6 =	sshll.u32 s1, $0xE  }
0x6: {  	s7 =	sshll.u32 s5, $0xD;
	[smem:$0x7FF] =	sst s3;
	s5 =	ssub.s32 $0x2, s5  }
0x7: {  	s6 =	sor.u32 s7, s6;
	_ =	strace $0x80000047;
	s30 =	sshrl.u32 s5, $0x1  }
0x8: {  	s7 =	simm.s32 $0x2;
	s6 =	sadd.s32 s6, s4;
	s31 =	ssub.s32 s5, s30  }
0x9: {  	s4 =	sadd.s32 $0x400, s6;
	s5 =	sadd.s32 $0x40400, s6;
	s6 =	smax.u32 s31, $0x1  }
.LBB2_1:
0xa: {  	[tilespmem:s3], [sflag:$0x2] =	stream.linear.gather [hbm4b:s4+s3], $0x10000, $0x38;
	v63 =	vld [tilespmem:$0x0]  }
0xb: {  	_ =	swait.ge [sflag:s7], $0x10000  }
0xc: {  	[sflag:s7] =	ssyncset.done $0x0  }
0xd: {  	s12 =	simm.s32 $0x0;
	s13 =	simm.s32 $0x10000;
	[sflag:s7] =	ssyncadd.s32 $0xFFFF0000  }
0xe: {  	[tilespmem:s13], [sflag:$0x1] =	stream.indirect.gather [hbm4b:s2+s8], $0x1, s12, s8, $0xb8;
	v63 =	vld [tilespmem:$0x0]  }
0xf: {  	s19 =	simm.s32 $0x10080;
	s20 =	simm.s32 $0x80  }
0x10: {  	[tilespmem:s19], [sflag:$0x1] =	stream.indirect.gather [hbm4b:s2+s8], $0x1, s20, s8, $0xb8;
	v63 =	vld [tilespmem:$0x0]  }
0x11: {  	s21 =	simm.s32 $0x10100;
	s22 =	simm.s32 $0x100  }
0x12: {  	[tilespmem:s21], [sflag:$0x1] =	stream.indirect.gather [hbm4b:s2+s8], $0x1, s22, s8, $0xb8;
	v63 =	vld [tilespmem:$0x0]  }
0x13: {  	s23 =	simm.s32 $0x10180;
	s24 =	simm.s32 $0x180;
	s25 =	simm.s32 $0x10200  }
0x14: {  	[tilespmem:s23], [sflag:$0x1] =	stream.indirect.gather [hbm4b:s2+s8], $0x1, s24, s8, $0xb8;
	v63 =	vld [tilespmem:$0x0]  }
0x15: {  	s26 =	simm.s32 $0x200;
	s28 =	simm.s32 $0x10280;
	s29 =	simm.s32 $0x280  }
0x16: {  	[tilespmem:s25], [sflag:$0x1] =	stream.indirect.gather [hbm4b:s2+s8], $0x1, s26, s8, $0xb8;
	v63 =	vld [tilespmem:$0x0]  }
0x17: {  	s30 =	simm.s32 $0x10300;
	s31 =	simm.s32 $0x300;
	s14 =	simm.s32 $0x10380  }
0x18: {  	[tilespmem:s28], [sflag:$0x1] =	stream.indirect.gather [hbm4b:s2+s8], $0x1, s29, s8, $0xb8;
	v63 =	vld [tilespmem:$0x0]  }
0x19: {  	s15 =	simm.s32 $0x380;
	s12 =	simm.s32 $0x400;
	s13 =	simm.s32 $0x2000  }
0x1a: {  	[tilespmem:s30], [sflag:$0x1] =	stream.indirect.gather [hbm4b:s2+s8], $0x1, s31, s8, $0xb8;
	v63 =	vld [tilespmem:$0x0]  }
.LBB2_2:
0x1b: {  	[tilespmem:s14], [sflag:$0x1] =	stream.indirect.gather [hbm4b:s2+s8], $0x1, s15, s8, $0xb8;
	v63 =	vld [tilespmem:$0x0]  }
0x1c: {  	s14 =	smov.u32 s13  }
0x1d: {  	s17 =	sadd.s32 $0x1000, s13;
	s16 =	sshra.s32 s14, $0x2;
	s14 =	sadd.s32 $0x10000, s12  }
0x1e: {  	[tilespmem:s14], [sflag:$0x1] =	stream.indirect.gather [hbm4b:s2+s8], $0x1, s12, s8, $0xb8;
	v63 =	vld [tilespmem:$0x0]  }
0x1f: {  	p0 =	sne.s32 s13, $0x3F000;
	s13 =	sadd.s32 $0x10080, s12;
	s14 =	sadd.s32 $0x80, s12  }
0x20: {  	[tilespmem:s13], [sflag:$0x1] =	stream.indirect.gather [hbm4b:s2+s8], $0x1, s14, s8, $0xb8;
	v63 =	vld [tilespmem:$0x0]  }
0x21: {  	s13 =	sadd.s32 $0x10100, s12;
	s14 =	sadd.s32 $0x100, s12  }
0x22: {  	[tilespmem:s13], [sflag:$0x1] =	stream.indirect.gather [hbm4b:s2+s8], $0x1, s14, s8, $0xb8;
	v63 =	vld [tilespmem:$0x0]  }
0x23: {  	s13 =	sadd.s32 $0x10180, s12;
	s14 =	sadd.s32 $0x180, s12  }
0x24: {  	[tilespmem:s13], [sflag:$0x1] =	stream.indirect.gather [hbm4b:s2+s8], $0x1, s14, s8, $0xb8;
	v63 =	vld [tilespmem:$0x0]  }
0x25: {  	s13 =	sadd.s32 $0x10200, s12;
	s14 =	sadd.s32 $0x200, s12  }
0x26: {  	[tilespmem:s13], [sflag:$0x1] =	stream.indirect.gather [hbm4b:s2+s8], $0x1, s14, s8, $0xb8;
	v63 =	vld [tilespmem:$0x0]  }
.Ltmp0:
0x27: {  	s13 =	sadd.s32 $0x10280, s12;
	s14 =	sadd.s32 $0x280, s12;
	(pc) =	sbr.rel @p0 .LBB2_2-.Ltmp0, $4  }
0x28: {  	[tilespmem:s13], [sflag:$0x1] =	stream.indirect.gather [hbm4b:s2+s8], $0x1, s14, s8, $0xb8;
	v63 =	vld [tilespmem:$0x0]  }
0x29: {  	s15 =	sadd.s32 $0x380, s12;
	s13 =	sadd.s32 $0x10300, s12;
	s14 =	sadd.s32 $0x300, s12  }
0x2a: {  	[tilespmem:s13], [sflag:$0x1] =	stream.indirect.gather [hbm4b:s2+s8], $0x1, s14, s8, $0xb8;
	v63 =	vld [tilespmem:$0x0]  }
0x2b: {  	s14 =	sadd.s32 $0x10380, s12;
	s12 =	smov.u32 s16;
	s13 =	smov.u32 s17  }
0x2c: {  	[tilespmem:s14], [sflag:$0x1] =	stream.indirect.gather [hbm4b:s2+s8], $0x1, s15, s8, $0xb8;
	v63 =	vld [tilespmem:$0x0]  }
0x2d: {  	s13 =	sadd.s32 $0x10000, s12  }
0x2e: {  	[tilespmem:s13], [sflag:$0x1] =	stream.indirect.gather [hbm4b:s2+s8], $0x1, s12, s8, $0xb8;
	v63 =	vld [tilespmem:$0x0]  }
0x2f: {  	s17 =	sadd.s32 $0x10080, s12;
	s18 =	sadd.s32 $0x80, s12  }
0x30: {  	[tilespmem:s17], [sflag:$0x1] =	stream.indirect.gather [hbm4b:s2+s8], $0x1, s18, s8, $0xb8;
	v63 =	vld [tilespmem:$0x0]  }
0x31: {  	s19 =	sadd.s32 $0x10100, s12;
	s20 =	sadd.s32 $0x100, s12  }
0x32: {  	[tilespmem:s19], [sflag:$0x1] =	stream.indirect.gather [hbm4b:s2+s8], $0x1, s20, s8, $0xb8;
	v63 =	vld [tilespmem:$0x0]  }
0x33: {  	s21 =	sadd.s32 $0x10180, s12;
	s22 =	sadd.s32 $0x180, s12  }
0x34: {  	[tilespmem:s21], [sflag:$0x1] =	stream.indirect.gather [hbm4b:s2+s8], $0x1, s22, s8, $0xb8;
	v63 =	vld [tilespmem:$0x0]  }
0x35: {  	s23 =	sadd.s32 $0x10200, s12;
	s24 =	sadd.s32 $0x200, s12  }
0x36: {  	[tilespmem:s23], [sflag:$0x1] =	stream.indirect.gather [hbm4b:s2+s8], $0x1, s24, s8, $0xb8;
	v63 =	vld [tilespmem:$0x0]  }
0x37: {  	s25 =	sadd.s32 $0x10280, s12;
	s26 =	sadd.s32 $0x280, s12  }
0x38: {  	[tilespmem:s25], [sflag:$0x1] =	stream.indirect.gather [hbm4b:s2+s8], $0x1, s26, s8, $0xb8;
	v63 =	vld [tilespmem:$0x0]  }
0x39: {  	s28 =	sadd.s32 $0x10300, s12;
	s29 =	sadd.s32 $0x300, s12  }
0x3a: {  	[tilespmem:s28], [sflag:$0x1] =	stream.indirect.gather [hbm4b:s2+s8], $0x1, s29, s8, $0xb8;
	v63 =	vld [tilespmem:$0x0]  }
0x3b: {  	s30 =	sadd.s32 $0x10380, s12;
	s31 =	sadd.s32 $0x380, s12  }
0x3c: {  	[tilespmem:s30], [sflag:$0x1] =	stream.indirect.gather [hbm4b:s2+s8], $0x1, s31, s8, $0xb8;
	v63 =	vld [tilespmem:$0x0]  }
0x3d: {  	_ =	swait.ge [sflag:s9], $0x32  }
0x3e: {  	[sflag:s9] =	ssyncset.done $0x0  }
0x3f: {  	[sflag:s9] =	ssyncadd.s32 $0xFFFFFFCE  }
0x40: {  	_ =	swait.ge [sflag:s9], $0x32  }
0x41: {  	[sflag:s9] =	ssyncset.done $0x0  }
0x42: {  	[sflag:s9] =	ssyncadd.s32 $0xFFFFFFCE  }
0x43: {  	_ =	swait.ge [sflag:s9], $0x32  }
0x44: {  	[sflag:s9] =	ssyncset.done $0x0  }
0x45: {  	[sflag:s9] =	ssyncadd.s32 $0xFFFFFFCE  }
0x46: {  	_ =	swait.ge [sflag:s9], $0x32  }
0x47: {  	[sflag:s9] =	ssyncset.done $0x0  }
0x48: {  	[sflag:s9] =	ssyncadd.s32 $0xFFFFFFCE  }
0x49: {  	_ =	swait.ge [sflag:s9], $0x32  }
0x4a: {  	[sflag:s9] =	ssyncset.done $0x0  }
0x4b: {  	[sflag:s9] =	ssyncadd.s32 $0xFFFFFFCE  }
0x4c: {  	_ =	swait.ge [sflag:s9], $0x32  }
0x4d: {  	[sflag:s9] =	ssyncset.done $0x0  }
0x4e: {  	[sflag:s9] =	ssyncadd.s32 $0xFFFFFFCE  }
0x4f: {  	_ =	swait.ge [sflag:s9], $0x32  }
0x50: {  	[sflag:s9] =	ssyncset.done $0x0  }
0x51: {  	[sflag:s9] =	ssyncadd.s32 $0xFFFFFFCE  }
0x52: {  	_ =	swait.ge [sflag:s9], $0x32  }
0x53: {  	s12 =	simm.s32 $0x3F;
	[sflag:s9] =	ssyncset.done $0x0  }
.LBB2_4:
0x54: {  	p0 =	sne.s32 s12, $0x1;
	s12 =	sadd.s32 $0xFFFFFFFF, s12;
	[sflag:s9] =	ssyncadd.s32 $0xFFFFFFCE  }
0x55: {  	_ =	swait.ge [sflag:s9], $0x32  }
0x56: {  	[sflag:s9] =	ssyncset.done $0x0  }
0x57: {  	[sflag:s9] =	ssyncadd.s32 $0xFFFFFFCE  }
0x58: {  	_ =	swait.ge [sflag:s9], $0x32  }
0x59: {  	[sflag:s9] =	ssyncset.done $0x0  }
0x5a: {  	[sflag:s9] =	ssyncadd.s32 $0xFFFFFFCE  }
0x5b: {  	_ =	swait.ge [sflag:s9], $0x32  }
0x5c: {  	[sflag:s9] =	ssyncset.done $0x0  }
0x5d: {  	[sflag:s9] =	ssyncadd.s32 $0xFFFFFFCE  }
0x5e: {  	_ =	swait.ge [sflag:s9], $0x32  }
0x5f: {  	[sflag:s9] =	ssyncset.done $0x0  }
0x60: {  	[sflag:s9] =	ssyncadd.s32 $0xFFFFFFCE  }
0x61: {  	_ =	swait.ge [sflag:s9], $0x32  }
0x62: {  	[sflag:s9] =	ssyncset.done $0x0  }
0x63: {  	[sflag:s9] =	ssyncadd.s32 $0xFFFFFFCE  }
0x64: {  	_ =	swait.ge [sflag:s9], $0x32  }
0x65: {  	[sflag:s9] =	ssyncset.done $0x0  }
0x66: {  	[sflag:s9] =	ssyncadd.s32 $0xFFFFFFCE  }
.Ltmp1:
0x67: {  	_ =	swait.ge [sflag:s9], $0x32;
	(pc) =	sbr.rel @p0 .LBB2_4-.Ltmp1, $4  }
0x68: {  	[sflag:s9] =	ssyncset.done $0x0  }
0x69: {  	[sflag:s9] =	ssyncadd.s32 $0xFFFFFFCE  }
0x6a: {  	_ =	swait.ge [sflag:s9], $0x32  }
0x6b: {  	[sflag:s9] =	ssyncset.done $0x0  }
0x6c: {  	s11 =	sadd.s32 $0x1, s11  }
0x6d: {  	p0 =	sne.s32 s11, s6  }
.Ltmp2:
0x6e: {  	[sflag:s9] =	ssyncadd.s32 $0xFFFFFFCE;
	(pc) =	sbr.rel @p0 .LBB2_1-.Ltmp2, $4  }
0x6f: {  	[hbm4b:s5+s3] =	stream.linear.scatter [tilespmem:s10], [sflag:$0x2], $0x10000, $0x38;
	v63 =	vld [tilespmem:$0x0]  }
0x70: {  	_ =	swait.ge [sflag:s7], $0x10000  }
0x71: {  	[sflag:s7] =	ssyncset.done $0x0  }
0x72: {  	[sflag:s7] =	ssyncadd.s32 $0xFFFF0000  }
0x73: {  	_ =	sfence.sel $0x180000  }
0x74: {  	[bflag:$0x0] =	sbarrier.arrive $0xFFFF  }
0x75: {  	p0 =	sne.s32 s1, $0x0;
	_ =	strace $0x90000047  }
0x76: {  	s0 =	sadd.s32 @!p0 $0x100000, s0;
	[bflag:$0x2] =	sbarrier.arrive $0xFFFF  }
0x77: {  	[sflag:s0] =	ssyncadd.tile.s32 @!p0 $0x1;
	_ =	shalt  }
.Lfunc_end2:
_tile_overlayer_lowered:
.L_overlay_start_2:
0x78: {  	(tag) =	ssettag $0x2  }
0x79: {  	s0 =	rddreg [dreg:$0x0];
	s2 =	stileid.u32  }
0x7a: {  	s1 =	rddreg [dreg:$0x1];
	p0 =	sne.s32 s2, $0x0  }
0x7b: {  	s3 =	rddreg [dreg:$0x2];
	[bflag:$0x3] =	sbarrier.arrive $0xFFFF;
	s2 =	simm.s32 @!p0 $0x1C02  }
0x7c: {  	[timem:s3], [sflag:s2] =	dma.local @!p0 [hbm:s0], s1  }
0x7d: {  	s0 =	simm.s32 @!p0 $0x2  }
0x7e: {  	_ =	swait.ge @!p0 [sflag:s0], s1  }
0x7f: {  	s1 =	ssub.s32 @!p0 $0x0, s1;
	[sflag:s0] =	ssyncset.done @!p0 $0x0  }
0x80: {  	[sflag:s0] =	ssyncadd.s32 @!p0 s1  }
0x81: {  	[bflag:$0x3] =	sbarrier.arrive $0xFFFF  }
0x82: {  	_ =	shalt  }

</sc_bundles>
